<compile_context>
chip_gen: v7x
topology: tpu7x:2x2x1
jax: 0.10.2.dev20260603
libtpu: 0.0.44.dev20260713+nightly
codegen_flags: <defaults>
</compile_context>

<pallas_src>
import functools

import jax
import jax.numpy as jnp
from jax import lax
from jax.experimental import pallas as pl
from jax.experimental.pallas import tpu as pltpu
from jax.experimental.pallas import tpu_sc as plsc

NUM_CLASSES = 200000
NUM_SAMPLED = 1000
BATCH = 4096
DIM = 128
S_PAD = 1024

_NC = 2
_NS = 16
_NW = _NC * _NS

_LAB_PER_W = BATCH // _NW
_SMP_PER_W = S_PAD // _NW
_PER_W = _LAB_PER_W + _SMP_PER_W

_BB = 512


_B_ROWS = (NUM_CLASSES + DIM - 1) // DIM


@functools.cache
def _sc_gather_kernel():
    mesh = plsc.VectorSubcoreMesh(
        core_axis_name="c", subcore_axis_name="s",
        num_cores=_NC, num_subcores=_NS)

    @functools.partial(
        pl.kernel,
        out_type=[
            jax.ShapeDtypeStruct((BATCH, DIM), jnp.float32),
            jax.ShapeDtypeStruct((S_PAD, DIM), jnp.float32),
            jax.ShapeDtypeStruct((BATCH,), jnp.float32),
            jax.ShapeDtypeStruct((S_PAD,), jnp.float32),
        ],
        mesh=mesh,
        scratch_types=[
            pltpu.VMEM((_PER_W,), jnp.int32),
            pltpu.VMEM((_PER_W, DIM), jnp.float32),
            pltpu.VMEM((_PER_W,), jnp.float32),
            pltpu.SemaphoreType.DMA,
            pltpu.SemaphoreType.DMA,
            pltpu.SemaphoreType.DMA,
        ],
    )
    def sc_gather(w_hbm, b_hbm, idxc_hbm,
                  tw_out, sw_out, tb_out, sb_out,
                  idx_v, wrows_v, bvals_v, s1, s2, s3):
        wid = lax.axis_index("s") * _NC + lax.axis_index("c")
        pltpu.sync_copy(idxc_hbm.at[pl.ds(wid * _PER_W, _PER_W)], idx_v)
        cw = pltpu.async_copy(w_hbm.at[idx_v], wrows_v, s1)
        cb = pltpu.async_copy(b_hbm.at[idx_v], bvals_v, s2)
        cb.wait()
        o3 = pltpu.async_copy(
            bvals_v.at[pl.ds(0, _LAB_PER_W)],
            tb_out.at[pl.ds(wid * _LAB_PER_W, _LAB_PER_W)], s3)
        o4 = pltpu.async_copy(
            bvals_v.at[pl.ds(_LAB_PER_W, _SMP_PER_W)],
            sb_out.at[pl.ds(wid * _SMP_PER_W, _SMP_PER_W)], s3)
        cw.wait()
        o1 = pltpu.async_copy(
            wrows_v.at[pl.ds(0, _LAB_PER_W)],
            tw_out.at[pl.ds(wid * _LAB_PER_W, _LAB_PER_W)], s1)
        o2 = pltpu.async_copy(
            wrows_v.at[pl.ds(_LAB_PER_W, _SMP_PER_W)],
            sw_out.at[pl.ds(wid * _SMP_PER_W, _SMP_PER_W)], s1)
        o1.wait()
        o2.wait()
        o3.wait()
        o4.wait()

    return sc_gather


def _log1m(p):
    return -p * (1.0 + p * (0.5 + p * (1.0 / 3.0 + p * (
        0.25 + p * (0.2 + p * (1.0 / 6.0))))))


def _expm1_neg(y):
    small = y * (1.0 + y * (0.5 + y * (1.0 / 6.0)))
    return jnp.where(y > -0.02, small, jnp.exp(y) - 1.0)


def _tc_body(x_ref, tw_ref, tb_ref, lab_ref, sw_ref, sb_ref, cadj_ref,
             sid_ref, out_ref):
    x = x_ref[...]
    tw = tw_ref[...]
    tb = tb_ref[...]
    lab = lab_ref[...]
    sw = sw_ref[...]
    sb = sb_ref[...]
    cadj = cadj_ref[...]
    sid = sid_ref[...]

    labf = lab.astype(jnp.float32)
    p_true = (jnp.log(labf + 2.0) - jnp.log(labf + 1.0)) / jnp.log(
        float(NUM_CLASSES + 1))
    exp_true = -_expm1_neg(NUM_SAMPLED * _log1m(p_true))
    tl = (jnp.sum(x * tw, axis=1, keepdims=True) + tb
          - jnp.log(exp_true))

    logits = lax.dot_general(
        x, sw, (((1,), (1,)), ((), ())),
        preferred_element_type=jnp.float32)
    logits = logits + (sb + cadj)
    logits = jnp.where(lab == sid, logits - 1e9, logits)

    m = jnp.maximum(jnp.max(logits, axis=1, keepdims=True), tl)
    ssum = (jnp.sum(jnp.exp(logits - m), axis=1, keepdims=True)
            + jnp.exp(tl - m))
    out_ref[...] = jnp.log(ssum) + m - tl


_tc_call = pl.pallas_call(
    _tc_body,
    grid=(BATCH // _BB,),
    in_specs=[
        pl.BlockSpec((_BB, DIM), lambda i: (i, 0)),
        pl.BlockSpec((_BB, DIM), lambda i: (i, 0)),
        pl.BlockSpec((_BB, 1), lambda i: (i, 0)),
        pl.BlockSpec((_BB, 1), lambda i: (i, 0)),
        pl.BlockSpec((S_PAD, DIM), lambda i: (0, 0)),
        pl.BlockSpec((1, S_PAD), lambda i: (0, 0)),
        pl.BlockSpec((1, S_PAD), lambda i: (0, 0)),
        pl.BlockSpec((1, S_PAD), lambda i: (0, 0)),
    ],
    out_specs=pl.BlockSpec((_BB, 1), lambda i: (i, 0)),
    out_shape=jax.ShapeDtypeStruct((BATCH, 1), jnp.float32),
)


def _sampled_constants():
    u = jax.random.uniform(jax.random.key(42), (NUM_SAMPLED,),
                           dtype=jnp.float32)
    ids = jnp.floor(jnp.exp(u * jnp.log(float(NUM_CLASSES + 1)))) - 1.0
    sampled = jnp.clip(ids, 0, NUM_CLASSES - 1).astype(jnp.int32)
    idf = sampled.astype(jnp.float32)
    p_samp = (jnp.log(idf + 2.0) - jnp.log(idf + 1.0)) / jnp.log(
        float(NUM_CLASSES + 1))
    exp_samp = -jnp.expm1(NUM_SAMPLED * jnp.log1p(-p_samp))
    cadj = -jnp.log(exp_samp)
    npad = S_PAD - NUM_SAMPLED
    sc_sid = jnp.concatenate([sampled, jnp.zeros((npad,), jnp.int32)])
    tc_sid = jnp.concatenate([sampled, jnp.full((npad,), -1, jnp.int32)])
    cadj_pad = jnp.concatenate([cadj, jnp.full((npad,), -1e30, jnp.float32)])
    return sc_sid, tc_sid, cadj_pad


def kernel(inputs, labels, W, b):
    sc_sid, tc_sid, cadj_pad = _sampled_constants()
    idxc = jnp.concatenate(
        [labels.reshape(_NW, _LAB_PER_W), sc_sid.reshape(_NW, _SMP_PER_W)],
        axis=1).reshape(_NW * _PER_W)
    tw, sw, tb, sb = _sc_gather_kernel()(W, b, idxc)
    loss = _tc_call(inputs, tw, tb.reshape(BATCH, 1), labels.reshape(BATCH, 1),
                    sw, sb.reshape(1, S_PAD), cadj_pad.reshape(1, S_PAD),
                    tc_sid.reshape(1, S_PAD))
    return loss.reshape(BATCH)

# --- scband reference (transcript-rebuilt; emitter-appended) ---
"""Pipeline reference for scband-sampled-softmax-78494822302122 (READ-ONLY COPY).

The authoritative reference and input builder live on the scoring server;
editing this copy changes nothing except your own understanding.
"""

import jax, jax.numpy as jnp
import numpy as np

NUM_CLASSES = 200000
NUM_SAMPLED = 1000
BATCH = 4096
DIM = 128


def _log_uniform_prob(ids):
    idf = ids.astype(jnp.float32)
    return (jnp.log(idf + 2.0) - jnp.log(idf + 1.0)) / jnp.log(float(NUM_CLASSES + 1))


def _sample_log_uniform(key, n):
    # TF log_uniform_candidate_sampler (Zipfian) equivalent
    u = jax.random.uniform(key, (n,), dtype=jnp.float32)
    ids = jnp.floor(jnp.exp(u * jnp.log(float(NUM_CLASSES + 1)))) - 1.0
    return jnp.clip(ids, 0, NUM_CLASSES - 1).astype(jnp.int32)


def setup_inputs(seed: int = 0) -> dict:
    key = jax.random.key(seed)
    k1, k2, k3, k4 = jax.random.split(key, 4)
    inputs = jax.random.normal(k1, (BATCH, DIM), dtype=jnp.float32)
    labels = jax.random.randint(k2, (BATCH,), 0, NUM_CLASSES, dtype=jnp.int32)
    W = jax.random.normal(k3, (NUM_CLASSES, DIM), dtype=jnp.float32) * 0.05
    b = jax.random.normal(k4, (NUM_CLASSES,), dtype=jnp.float32) * 0.01
    return {"inputs": inputs, "labels": labels, "W": W, "b": b}


def reference(inputs, labels, W, b):
    # tf.nn.sampled_softmax_loss with log-uniform candidate sampler,
    # remove_accidental_hits=True (TF default for sampled_softmax_loss).
    sampled = _sample_log_uniform(jax.random.key(42), NUM_SAMPLED)

    p_true = _log_uniform_prob(labels)
    p_samp = _log_uniform_prob(sampled)
    # expected counts: -expm1(num_tries * log1p(-p)) as in TF sampler
    exp_true = -jnp.expm1(NUM_SAMPLED * jnp.log1p(-p_true))
    exp_samp = -jnp.expm1(NUM_SAMPLED * jnp.log1p(-p_samp))

    # gather true-class rows (labels = argmax of one-hot target in original code)
    true_w = jnp.take(W, labels, axis=0)          # [B, d]
    true_b = jnp.take(b, labels, axis=0)          # [B]
    true_logits = jnp.sum(inputs * true_w, axis=1) + true_b - jnp.log(exp_true)

    samp_w = jnp.take(W, sampled, axis=0)          # [S, d]
    samp_b = jnp.take(b, sampled, axis=0)          # [S]
    samp_logits = inputs @ samp_w.T + samp_b[None, :] - jnp.log(exp_samp)[None, :]

    # remove accidental hits
    hit = labels[:, None] == sampled[None, :]
    samp_logits = jnp.where(hit, samp_logits - 1e9, samp_logits)

    logits = jnp.concatenate([true_logits[:, None], samp_logits], axis=1)  # [B, 1+S]
    # softmax cross entropy with the true class at column 0
    loss = jax.nn.logsumexp(logits, axis=1) - logits[:, 0]
    return loss  # [B], matches tf.nn.sampled_softmax_loss per-example output

if __name__ == "__main__":
    import jax
    _d = setup_inputs()
    print(jax.jit(kernel)(*tuple(_d.values())))

</pallas_src>

<mosaic_0001>
#map = affine_map<(d0, d1) -> (0, 0)>
#map1 = affine_map<(d0, d1) -> (0)>
module attributes {stable_mosaic.version = 14 : i64} {
  func.func @sc_gather(%arg0: i32, %arg1: i32, %arg2: memref<200000x128xf32, #tpu.memory_space<hbm>>, %arg3: memref<200000xf32, #tpu.memory_space<hbm>>, %arg4: memref<5120xi32, #tpu.memory_space<hbm>>, %arg5: memref<4096x128xf32, #tpu.memory_space<hbm>>, %arg6: memref<1024x128xf32, #tpu.memory_space<hbm>>, %arg7: memref<4096xf32, #tpu.memory_space<hbm>>, %arg8: memref<1024xf32, #tpu.memory_space<hbm>>, %arg9: memref<160xi32, #tpu.memory_space<vmem>>, %arg10: memref<160x128xf32, #tpu.memory_space<vmem>>, %arg11: memref<160xf32, #tpu.memory_space<vmem>>, %arg12: memref<!tpu.dma_semaphore, #tpu.memory_space<semaphore_mem>>, %arg13: memref<!tpu.dma_semaphore, #tpu.memory_space<semaphore_mem>>, %arg14: memref<!tpu.dma_semaphore, #tpu.memory_space<semaphore_mem>>) attributes {dimension_semantics = [#tpu.dimension_semantics<core_parallel>, #tpu.dimension_semantics<subcore_parallel>], iteration_bounds = array<i64: 2, 16>, scalar_prefetch = 0 : i64, scratch_operands = 6 : i64, tpu.core_type = #tpu.core_type<sc_vector_subcore>, window_params = [{transform_indices = #map}, {transform_indices = #map1}, {transform_indices = #map1}, {transform_indices = #map}, {transform_indices = #map}, {transform_indices = #map1}, {transform_indices = #map1}]} {
    %mul3A = arith.constant 2 : i32
    %mul3A_0 = arith.muli %arg1, %mul3A : i32
    %add3A = arith.addi %mul3A_0, %arg0 : i32
    %mul3A_1 = arith.constant 160 : i32
    %mul3A_2 = arith.muli %add3A, %mul3A_1 : i32
    "tpu.region"() ({
      %run_scoped3A = tpu.sem_alloc : memref<!tpu.dma_semaphore, #tpu.memory_space<semaphore_mem>>
      %dma_start3A_83 = tpu.memref_slice %arg4[%mul3A_2] : memref<5120xi32, #tpu.memory_space<hbm>> -> memref<160xi32, #tpu.memory_space<hbm>>
      %dma_start3A_84 = tpu.memref_slice %arg4[%mul3A_2] : memref<5120xi32, #tpu.memory_space<hbm>> -> memref<160xi32, #tpu.memory_space<hbm>>
      tpu.enqueue_dma source(%dma_start3A_84 : memref<160xi32, #tpu.memory_space<hbm>>) target(%arg9 : memref<160xi32, #tpu.memory_space<vmem>>) target_semaphore(%run_scoped3A : memref<!tpu.dma_semaphore, #tpu.memory_space<semaphore_mem>>)
      %dma_wait3A_85 = tpu.memref_slice %arg4[%mul3A_2] : memref<5120xi32, #tpu.memory_space<hbm>> -> memref<160xi32, #tpu.memory_space<hbm>>
      %dma_wait3A_86 = tpu.memref_slice %arg4[%mul3A_2] : memref<5120xi32, #tpu.memory_space<hbm>> -> memref<160xi32, #tpu.memory_space<hbm>>
      tpu.wait_dma2 semaphore(%run_scoped3A : memref<!tpu.dma_semaphore, #tpu.memory_space<semaphore_mem>>) src(%dma_wait3A_86 : memref<160xi32, #tpu.memory_space<hbm>>) dst(%arg9 : memref<160xi32, #tpu.memory_space<vmem>>)
      tpu.yield
    }) : () -> ()
    %dma_start3A = arith.constant 0 : i32
    %dma_start3A_3 = arith.constant 0 : i32
    %dma_start3A_4 = tpu.memref_slice %arg2[%dma_start3A, %dma_start3A_3] : memref<200000x128xf32, #tpu.memory_space<hbm>> -> memref<200000x128xf32, #tpu.memory_space<hbm>>
    tpu.enqueue_indirect_dma source(%dma_start3A_4 : memref<200000x128xf32, #tpu.memory_space<hbm>>) target(%arg10 : memref<160x128xf32, #tpu.memory_space<vmem>>) offsets(%arg9 : memref<160xi32, #tpu.memory_space<vmem>>) semaphore(%arg12 : memref<!tpu.dma_semaphore, #tpu.memory_space<semaphore_mem>>)
    %dma_start3A_5 = arith.constant 0 : i32
    %dma_start3A_6 = tpu.memref_slice %arg3[%dma_start3A_5] : memref<200000xf32, #tpu.memory_space<hbm>> -> memref<200000xf32, #tpu.memory_space<hbm>>
    tpu.enqueue_indirect_dma source(%dma_start3A_6 : memref<200000xf32, #tpu.memory_space<hbm>>) target(%arg11 : memref<160xf32, #tpu.memory_space<vmem>>) offsets(%arg9 : memref<160xi32, #tpu.memory_space<vmem>>) semaphore(%arg13 : memref<!tpu.dma_semaphore, #tpu.memory_space<semaphore_mem>>)
    %dma_wait3A = arith.constant 0 : i32
    %dma_wait3A_7 = tpu.memref_slice %arg3[%dma_wait3A] : memref<200000xf32, #tpu.memory_space<hbm>> -> memref<200000xf32, #tpu.memory_space<hbm>>
    tpu.wait_indirect_dma semaphore(%arg13 : memref<!tpu.dma_semaphore, #tpu.memory_space<semaphore_mem>>) src(%dma_wait3A_7 : memref<200000xf32, #tpu.memory_space<hbm>>) dst(%arg11 : memref<160xf32, #tpu.memory_space<vmem>>)
    %mul3A_8 = arith.constant 128 : i32
    %mul3A_9 = arith.muli %add3A, %mul3A_8 : i32
    %dma_start3A_10 = arith.constant 0 : i32
    %dma_start3A_11 = tpu.memref_slice %arg11[%dma_start3A_10] : memref<160xf32, #tpu.memory_space<vmem>> -> memref<128xf32, #tpu.memory_space<vmem>>
    %dma_start3A_12 = tpu.memref_slice %arg7[%mul3A_9] : memref<4096xf32, #tpu.memory_space<hbm>> -> memref<128xf32, #tpu.memory_space<hbm>>
    %dma_start3A_13 = tpu.memref_slice %arg7[%mul3A_9] : memref<4096xf32, #tpu.memory_space<hbm>> -> memref<128xf32, #tpu.memory_space<hbm>>
    %dma_start3A_14 = arith.constant 0 : i32
    %dma_start3A_15 = tpu.memref_slice %arg11[%dma_start3A_14] : memref<160xf32, #tpu.memory_space<vmem>> -> memref<128xf32, #tpu.memory_space<vmem>>
    tpu.enqueue_dma source(%dma_start3A_15 : memref<128xf32, #tpu.memory_space<vmem>>) target(%dma_start3A_13 : memref<128xf32, #tpu.memory_space<hbm>>) target_semaphore(%arg14 : memref<!tpu.dma_semaphore, #tpu.memory_space<semaphore_mem>>)
    %mul3A_16 = arith.constant 32 : i32
    %mul3A_17 = arith.muli %add3A, %mul3A_16 : i32
    %dma_start3A_18 = arith.constant 128 : i32
    %dma_start3A_19 = tpu.memref_slice %arg11[%dma_start3A_18] : memref<160xf32, #tpu.memory_space<vmem>> -> memref<32xf32, #tpu.memory_space<vmem>>
    %dma_start3A_20 = tpu.memref_slice %arg8[%mul3A_17] : memref<1024xf32, #tpu.memory_space<hbm>> -> memref<32xf32, #tpu.memory_space<hbm>>
    %dma_start3A_21 = tpu.memref_slice %arg8[%mul3A_17] : memref<1024xf32, #tpu.memory_space<hbm>> -> memref<32xf32, #tpu.memory_space<hbm>>
    %dma_start3A_22 = arith.constant 128 : i32
    %dma_start3A_23 = tpu.memref_slice %arg11[%dma_start3A_22] : memref<160xf32, #tpu.memory_space<vmem>> -> memref<32xf32, #tpu.memory_space<vmem>>
    tpu.enqueue_dma source(%dma_start3A_23 : memref<32xf32, #tpu.memory_space<vmem>>) target(%dma_start3A_21 : memref<32xf32, #tpu.memory_space<hbm>>) target_semaphore(%arg14 : memref<!tpu.dma_semaphore, #tpu.memory_space<semaphore_mem>>)
    %dma_wait3A_24 = arith.constant 0 : i32
    %dma_wait3A_25 = arith.constant 0 : i32
    %dma_wait3A_26 = tpu.memref_slice %arg2[%dma_wait3A_24, %dma_wait3A_25] : memref<200000x128xf32, #tpu.memory_space<hbm>> -> memref<200000x128xf32, #tpu.memory_space<hbm>>
    tpu.wait_indirect_dma semaphore(%arg12 : memref<!tpu.dma_semaphore, #tpu.memory_space<semaphore_mem>>) src(%dma_wait3A_26 : memref<200000x128xf32, #tpu.memory_space<hbm>>) dst(%arg10 : memref<160x128xf32, #tpu.memory_space<vmem>>)
    %mul3A_27 = arith.constant 128 : i32
    %mul3A_28 = arith.muli %add3A, %mul3A_27 : i32
    %dma_start3A_29 = arith.constant 0 : i32
    %dma_start3A_30 = arith.constant 0 : i32
    %dma_start3A_31 = tpu.memref_slice %arg10[%dma_start3A_29, %dma_start3A_30] : memref<160x128xf32, #tpu.memory_space<vmem>> -> memref<128x128xf32, #tpu.memory_space<vmem>>
    %dma_start3A_32 = arith.constant 0 : i32
    %dma_start3A_33 = tpu.memref_slice %arg5[%mul3A_28, %dma_start3A_32] : memref<4096x128xf32, #tpu.memory_space<hbm>> -> memref<128x128xf32, #tpu.memory_space<hbm>>
    %dma_start3A_34 = arith.constant 0 : i32
    %dma_start3A_35 = tpu.memref_slice %arg5[%mul3A_28, %dma_start3A_34] : memref<4096x128xf32, #tpu.memory_space<hbm>> -> memref<128x128xf32, #tpu.memory_space<hbm>>
    %dma_start3A_36 = arith.constant 0 : i32
    %dma_start3A_37 = arith.constant 0 : i32
    %dma_start3A_38 = tpu.memref_slice %arg10[%dma_start3A_36, %dma_start3A_37] : memref<160x128xf32, #tpu.memory_space<vmem>> -> memref<128x128xf32, #tpu.memory_space<vmem>>
    tpu.enqueue_dma source(%dma_start3A_38 : memref<128x128xf32, #tpu.memory_space<vmem>>) target(%dma_start3A_35 : memref<128x128xf32, #tpu.memory_space<hbm>>) target_semaphore(%arg12 : memref<!tpu.dma_semaphore, #tpu.memory_space<semaphore_mem>>)
    %mul3A_39 = arith.constant 32 : i32
    %mul3A_40 = arith.muli %add3A, %mul3A_39 : i32
    %dma_start3A_41 = arith.constant 128 : i32
    %dma_start3A_42 = arith.constant 0 : i32
    %dma_start3A_43 = tpu.memref_slice %arg10[%dma_start3A_41, %dma_start3A_42] : memref<160x128xf32, #tpu.memory_space<vmem>> -> memref<32x128xf32, #tpu.memory_space<vmem>>
    %dma_start3A_44 = arith.constant 0 : i32
    %dma_start3A_45 = tpu.memref_slice %arg6[%mul3A_40, %dma_start3A_44] : memref<1024x128xf32, #tpu.memory_space<hbm>> -> memref<32x128xf32, #tpu.memory_space<hbm>>
    %dma_start3A_46 = arith.constant 0 : i32
    %dma_start3A_47 = tpu.memref_slice %arg6[%mul3A_40, %dma_start3A_46] : memref<1024x128xf32, #tpu.memory_space<hbm>> -> memref<32x128xf32, #tpu.memory_space<hbm>>
    %dma_start3A_48 = arith.constant 128 : i32
    %dma_start3A_49 = arith.constant 0 : i32
    %dma_start3A_50 = tpu.memref_slice %arg10[%dma_start3A_48, %dma_start3A_49] : memref<160x128xf32, #tpu.memory_space<vmem>> -> memref<32x128xf32, #tpu.memory_space<vmem>>
    tpu.enqueue_dma source(%dma_start3A_50 : memref<32x128xf32, #tpu.memory_space<vmem>>) target(%dma_start3A_47 : memref<32x128xf32, #tpu.memory_space<hbm>>) target_semaphore(%arg12 : memref<!tpu.dma_semaphore, #tpu.memory_space<semaphore_mem>>)
    %dma_wait3A_51 = arith.constant 0 : i32
    %dma_wait3A_52 = arith.constant 0 : i32
    %dma_wait3A_53 = tpu.memref_slice %arg10[%dma_wait3A_51, %dma_wait3A_52] : memref<160x128xf32, #tpu.memory_space<vmem>> -> memref<128x128xf32, #tpu.memory_space<vmem>>
    %dma_wait3A_54 = arith.constant 0 : i32
    %dma_wait3A_55 = tpu.memref_slice %arg5[%mul3A_28, %dma_wait3A_54] : memref<4096x128xf32, #tpu.memory_space<hbm>> -> memref<128x128xf32, #tpu.memory_space<hbm>>
    %dma_wait3A_56 = arith.constant 0 : i32
    %dma_wait3A_57 = tpu.memref_slice %arg5[%mul3A_28, %dma_wait3A_56] : memref<4096x128xf32, #tpu.memory_space<hbm>> -> memref<128x128xf32, #tpu.memory_space<hbm>>
    %dma_wait3A_58 = arith.constant 0 : i32
    %dma_wait3A_59 = arith.constant 0 : i32
    %dma_wait3A_60 = tpu.memref_slice %arg10[%dma_wait3A_58, %dma_wait3A_59] : memref<160x128xf32, #tpu.memory_space<vmem>> -> memref<128x128xf32, #tpu.memory_space<vmem>>
    tpu.wait_dma2 semaphore(%arg12 : memref<!tpu.dma_semaphore, #tpu.memory_space<semaphore_mem>>) src(%dma_wait3A_60 : memref<128x128xf32, #tpu.memory_space<vmem>>) dst(%dma_wait3A_57 : memref<128x128xf32, #tpu.memory_space<hbm>>)
    %dma_wait3A_61 = arith.constant 128 : i32
    %dma_wait3A_62 = arith.constant 0 : i32
    %dma_wait3A_63 = tpu.memref_slice %arg10[%dma_wait3A_61, %dma_wait3A_62] : memref<160x128xf32, #tpu.memory_space<vmem>> -> memref<32x128xf32, #tpu.memory_space<vmem>>
    %dma_wait3A_64 = arith.constant 0 : i32
    %dma_wait3A_65 = tpu.memref_slice %arg6[%mul3A_40, %dma_wait3A_64] : memref<1024x128xf32, #tpu.memory_space<hbm>> -> memref<32x128xf32, #tpu.memory_space<hbm>>
    %dma_wait3A_66 = arith.constant 0 : i32
    %dma_wait3A_67 = tpu.memref_slice %arg6[%mul3A_40, %dma_wait3A_66] : memref<1024x128xf32, #tpu.memory_space<hbm>> -> memref<32x128xf32, #tpu.memory_space<hbm>>
    %dma_wait3A_68 = arith.constant 128 : i32
    %dma_wait3A_69 = arith.constant 0 : i32
    %dma_wait3A_70 = tpu.memref_slice %arg10[%dma_wait3A_68, %dma_wait3A_69] : memref<160x128xf32, #tpu.memory_space<vmem>> -> memref<32x128xf32, #tpu.memory_space<vmem>>
    tpu.wait_dma2 semaphore(%arg12 : memref<!tpu.dma_semaphore, #tpu.memory_space<semaphore_mem>>) src(%dma_wait3A_70 : memref<32x128xf32, #tpu.memory_space<vmem>>) dst(%dma_wait3A_67 : memref<32x128xf32, #tpu.memory_space<hbm>>)
    %dma_wait3A_71 = arith.constant 0 : i32
    %dma_wait3A_72 = tpu.memref_slice %arg11[%dma_wait3A_71] : memref<160xf32, #tpu.memory_space<vmem>> -> memref<128xf32, #tpu.memory_space<vmem>>
    %dma_wait3A_73 = tpu.memref_slice %arg7[%mul3A_9] : memref<4096xf32, #tpu.memory_space<hbm>> -> memref<128xf32, #tpu.memory_space<hbm>>
    %dma_wait3A_74 = tpu.memref_slice %arg7[%mul3A_9] : memref<4096xf32, #tpu.memory_space<hbm>> -> memref<128xf32, #tpu.memory_space<hbm>>
    %dma_wait3A_75 = arith.constant 0 : i32
    %dma_wait3A_76 = tpu.memref_slice %arg11[%dma_wait3A_75] : memref<160xf32, #tpu.memory_space<vmem>> -> memref<128xf32, #tpu.memory_space<vmem>>
    tpu.wait_dma2 semaphore(%arg14 : memref<!tpu.dma_semaphore, #tpu.memory_space<semaphore_mem>>) src(%dma_wait3A_76 : memref<128xf32, #tpu.memory_space<vmem>>) dst(%dma_wait3A_74 : memref<128xf32, #tpu.memory_space<hbm>>)
    %dma_wait3A_77 = arith.constant 128 : i32
    %dma_wait3A_78 = tpu.memref_slice %arg11[%dma_wait3A_77] : memref<160xf32, #tpu.memory_space<vmem>> -> memref<32xf32, #tpu.memory_space<vmem>>
    %dma_wait3A_79 = tpu.memref_slice %arg8[%mul3A_17] : memref<1024xf32, #tpu.memory_space<hbm>> -> memref<32xf32, #tpu.memory_space<hbm>>
    %dma_wait3A_80 = tpu.memref_slice %arg8[%mul3A_17] : memref<1024xf32, #tpu.memory_space<hbm>> -> memref<32xf32, #tpu.memory_space<hbm>>
    %dma_wait3A_81 = arith.constant 128 : i32
    %dma_wait3A_82 = tpu.memref_slice %arg11[%dma_wait3A_81] : memref<160xf32, #tpu.memory_space<vmem>> -> memref<32xf32, #tpu.memory_space<vmem>>
    tpu.wait_dma2 semaphore(%arg14 : memref<!tpu.dma_semaphore, #tpu.memory_space<semaphore_mem>>) src(%dma_wait3A_82 : memref<32xf32, #tpu.memory_space<vmem>>) dst(%dma_wait3A_80 : memref<32xf32, #tpu.memory_space<hbm>>)
    return
  }
}

module attributes {stable_mosaic.version = 14 : i64} {
  func.func @_tc_body(%arg0: i32, %arg1: memref<512x128xf32, #tpu.memory_space<vmem>>, %arg2: memref<512x128xf32, #tpu.memory_space<vmem>>, %arg3: memref<512x1xf32, #tpu.memory_space<vmem>>, %arg4: memref<512x1xi32, #tpu.memory_space<vmem>>, %arg5: memref<1024x128xf32, #tpu.memory_space<vmem>>, %arg6: memref<1x1024xf32, #tpu.memory_space<vmem>>, %arg7: memref<1x1024xf32, #tpu.memory_space<vmem>>, %arg8: memref<1x1024xi32, #tpu.memory_space<vmem>>, %arg9: memref<512x1xf32, #tpu.memory_space<vmem>>) attributes {dimension_semantics = [#tpu.dimension_semantics<arbitrary>], iteration_bounds = array<i64: 8>, scalar_prefetch = 0 : i64, scratch_operands = 0 : i64, tpu.core_type = #tpu.core_type<tc>, window_params = [{transform_indices = @transform_0, window_bounds = array<i64: 512, 128>}, {transform_indices = @transform_1, window_bounds = array<i64: 512, 128>}, {transform_indices = @transform_2, window_bounds = array<i64: 512, 1>}, {transform_indices = @transform_3, window_bounds = array<i64: 512, 1>}, {pipeline_mode = #tpu.pipeline_mode<synchronous>, transform_indices = @transform_4, window_bounds = array<i64: 1024, 128>}, {pipeline_mode = #tpu.pipeline_mode<synchronous>, transform_indices = @transform_5, window_bounds = array<i64: 1, 1024>}, {pipeline_mode = #tpu.pipeline_mode<synchronous>, transform_indices = @transform_6, window_bounds = array<i64: 1, 1024>}, {pipeline_mode = #tpu.pipeline_mode<synchronous>, transform_indices = @transform_7, window_bounds = array<i64: 1, 1024>}, {transform_indices = @transform_8, window_bounds = array<i64: 512, 1>}]} {
    %get3A = arith.constant 0 : index
    %get3A_0 = arith.constant 0 : index
    %get3A_1 = vector.load %arg1[%get3A, %get3A_0] : memref<512x128xf32, #tpu.memory_space<vmem>>, vector<512x128xf32>
    %get3A_2 = arith.constant 0 : index
    %get3A_3 = arith.constant 0 : index
    %get3A_4 = vector.load %arg2[%get3A_2, %get3A_3] : memref<512x128xf32, #tpu.memory_space<vmem>>, vector<512x128xf32>
    %get3A_5 = arith.constant 0 : index
    %get3A_6 = arith.constant 0 : index
    %get3A_7 = vector.load %arg3[%get3A_5, %get3A_6] : memref<512x1xf32, #tpu.memory_space<vmem>>, vector<512x1xf32>
    %get3A_8 = arith.constant 0 : index
    %get3A_9 = arith.constant 0 : index
    %get3A_10 = vector.load %arg4[%get3A_8, %get3A_9] : memref<512x1xi32, #tpu.memory_space<vmem>>, vector<512x1xi32>
    %get3A_11 = arith.constant 0 : index
    %get3A_12 = arith.constant 0 : index
    %get3A_13 = vector.load %arg5[%get3A_11, %get3A_12] : memref<1024x128xf32, #tpu.memory_space<vmem>>, vector<1024x128xf32>
    %get3A_14 = arith.constant 0 : index
    %get3A_15 = arith.constant 0 : index
    %get3A_16 = vector.load %arg6[%get3A_14, %get3A_15] : memref<1x1024xf32, #tpu.memory_space<vmem>>, vector<1x1024xf32>
    %get3A_17 = arith.constant 0 : index
    %get3A_18 = arith.constant 0 : index
    %get3A_19 = vector.load %arg7[%get3A_17, %get3A_18] : memref<1x1024xf32, #tpu.memory_space<vmem>>, vector<1x1024xf32>
    %get3A_20 = arith.constant 0 : index
    %get3A_21 = arith.constant 0 : index
    %get3A_22 = vector.load %arg8[%get3A_20, %get3A_21] : memref<1x1024xi32, #tpu.memory_space<vmem>>, vector<1x1024xi32>
    %convert_element_type3A = arith.sitofp %get3A_10 : vector<512x1xi32> to vector<512x1xf32>
    %add3A = arith.constant 2.000000e+00 : f32
    %add3A_23 = vector.broadcast %add3A : f32 to vector<512x1xf32>
    %add3A_24 = arith.addf %convert_element_type3A, %add3A_23 : vector<512x1xf32>
    %log3A = math.log %add3A_24 : vector<512x1xf32>
    %add3A_25 = arith.constant 1.000000e+00 : f32
    %add3A_26 = vector.broadcast %add3A_25 : f32 to vector<512x1xf32>
    %add3A_27 = arith.addf %convert_element_type3A, %add3A_26 : vector<512x1xf32>
    %log3A_28 = math.log %add3A_27 : vector<512x1xf32>
    %sub3A = arith.subf %log3A, %log3A_28 : vector<512x1xf32>
    %log3A_29 = arith.constant 2.000010e+05 : f32
    %log3A_30 = math.log %log3A_29 : f32
    %div3A = vector.broadcast %log3A_30 : f32 to vector<512x1xf32>
    %div3A_31 = arith.divf %sub3A, %div3A : vector<512x1xf32>
    %neg3A = arith.constant 0.000000e+00 : f32
    %neg3A_32 = vector.broadcast %neg3A : f32 to vector<512x1xf32>
    %neg3A_33 = arith.subf %neg3A_32, %div3A_31 : vector<512x1xf32>
    %mul3A = arith.constant 0.166666672 : f32
    %mul3A_34 = vector.broadcast %mul3A : f32 to vector<512x1xf32>
    %mul3A_35 = arith.mulf %div3A_31, %mul3A_34 : vector<512x1xf32>
    %add3A_36 = arith.constant 2.000000e-01 : f32
    %add3A_37 = vector.broadcast %add3A_36 : f32 to vector<512x1xf32>
    %add3A_38 = arith.addf %add3A_37, %mul3A_35 : vector<512x1xf32>
    %mul3A_39 = arith.mulf %div3A_31, %add3A_38 : vector<512x1xf32>
    %add3A_40 = arith.constant 2.500000e-01 : f32
    %add3A_41 = vector.broadcast %add3A_40 : f32 to vector<512x1xf32>
    %add3A_42 = arith.addf %add3A_41, %mul3A_39 : vector<512x1xf32>
    %mul3A_43 = arith.mulf %div3A_31, %add3A_42 : vector<512x1xf32>
    %add3A_44 = arith.constant 0.333333343 : f32
    %add3A_45 = vector.broadcast %add3A_44 : f32 to vector<512x1xf32>
    %add3A_46 = arith.addf %add3A_45, %mul3A_43 : vector<512x1xf32>
    %mul3A_47 = arith.mulf %div3A_31, %add3A_46 : vector<512x1xf32>
    %add3A_48 = arith.constant 5.000000e-01 : f32
    %add3A_49 = vector.broadcast %add3A_48 : f32 to vector<512x1xf32>
    %add3A_50 = arith.addf %add3A_49, %mul3A_47 : vector<512x1xf32>
    %mul3A_51 = arith.mulf %div3A_31, %add3A_50 : vector<512x1xf32>
    %add3A_52 = arith.constant 1.000000e+00 : f32
    %add3A_53 = vector.broadcast %add3A_52 : f32 to vector<512x1xf32>
    %add3A_54 = arith.addf %add3A_53, %mul3A_51 : vector<512x1xf32>
    %mul3A_55 = arith.mulf %neg3A_33, %add3A_54 : vector<512x1xf32>
    %mul3A_56 = arith.constant 1.000000e+03 : f32
    %mul3A_57 = vector.broadcast %mul3A_56 : f32 to vector<512x1xf32>
    %mul3A_58 = arith.mulf %mul3A_57, %mul3A_55 : vector<512x1xf32>
    %mul3A_59 = arith.constant 0.166666672 : f32
    %mul3A_60 = vector.broadcast %mul3A_59 : f32 to vector<512x1xf32>
    %mul3A_61 = arith.mulf %mul3A_58, %mul3A_60 : vector<512x1xf32>
    %add3A_62 = arith.constant 5.000000e-01 : f32
    %add3A_63 = vector.broadcast %add3A_62 : f32 to vector<512x1xf32>
    %add3A_64 = arith.addf %add3A_63, %mul3A_61 : vector<512x1xf32>
    %mul3A_65 = arith.mulf %mul3A_58, %add3A_64 : vector<512x1xf32>
    %add3A_66 = arith.constant 1.000000e+00 : f32
    %add3A_67 = vector.broadcast %add3A_66 : f32 to vector<512x1xf32>
    %add3A_68 = arith.addf %add3A_67, %mul3A_65 : vector<512x1xf32>
    %mul3A_69 = arith.mulf %mul3A_58, %add3A_68 : vector<512x1xf32>
    %gt3A = arith.constant -2.000000e-02 : f32
    %gt3A_70 = vector.broadcast %gt3A : f32 to vector<512x1xf32>
    %gt3A_71 = arith.cmpf ogt, %mul3A_58, %gt3A_70 : vector<512x1xf32>
    %exp3A = math.exp %mul3A_58 : vector<512x1xf32>
    %sub3A_72 = arith.constant 1.000000e+00 : f32
    %sub3A_73 = vector.broadcast %sub3A_72 : f32 to vector<512x1xf32>
    %sub3A_74 = arith.subf %exp3A, %sub3A_73 : vector<512x1xf32>
    %select_n3A = arith.select %gt3A_71, %mul3A_69, %sub3A_74 : vector<512x1xi1>, vector<512x1xf32>
    %neg3A_75 = arith.constant 0.000000e+00 : f32
    %neg3A_76 = vector.broadcast %neg3A_75 : f32 to vector<512x1xf32>
    %neg3A_77 = arith.subf %neg3A_76, %select_n3A : vector<512x1xf32>
    %mul3A_78 = arith.mulf %get3A_1, %get3A_4 : vector<512x128xf32>
    %reduce_sum3A = arith.constant dense<0.000000e+00> : vector<512xf32>
    %reduce_sum3A_79 = vector.multi_reduction <add>, %mul3A_78, %reduce_sum3A [1] : vector<512x128xf32> to vector<512xf32>
    %broadcast_in_dim3A = vector.shape_cast %reduce_sum3A_79 : vector<512xf32> to vector<512x1xf32>
    %add3A_80 = arith.addf %broadcast_in_dim3A, %get3A_7 : vector<512x1xf32>
    %log3A_81 = math.log %neg3A_77 : vector<512x1xf32>
    %sub3A_82 = arith.subf %add3A_80, %log3A_81 : vector<512x1xf32>
    %dot_general3A = arith.constant dense<0.000000e+00> : vector<512x1024xf32>
    %dot_general3A_83 = tpu.matmul %get3A_1, %get3A_13, %dot_general3A {dimension_numbers = #tpu.dot_dimension_numbers<[1], [1], [0], [0], [0, 0, 1, 0], [], []>, transpose_lhs_hint = false} : vector<512x128xf32>, vector<1024x128xf32>, vector<512x1024xf32> -> vector<512x1024xf32>
    %add3A_84 = arith.addf %get3A_16, %get3A_19 : vector<1x1024xf32>
    %add3A_85 = vector.broadcast %add3A_84 : vector<1x1024xf32> to vector<512x1024xf32>
    %add3A_86 = arith.addf %dot_general3A_83, %add3A_85 : vector<512x1024xf32>
    %eq3A = vector.broadcast %get3A_10 : vector<512x1xi32> to vector<512x1024xi32>
    %eq3A_87 = vector.broadcast %get3A_22 : vector<1x1024xi32> to vector<512x1024xi32>
    %eq3A_88 = arith.cmpi eq, %eq3A, %eq3A_87 : vector<512x1024xi32>
    %sub3A_89 = arith.constant 1.000000e+09 : f32
    %sub3A_90 = vector.broadcast %sub3A_89 : f32 to vector<512x1024xf32>
    %sub3A_91 = arith.subf %add3A_86, %sub3A_90 : vector<512x1024xf32>
    %select_n3A_92 = arith.select %eq3A_88, %sub3A_91, %add3A_86 : vector<512x1024xi1>, vector<512x1024xf32>
    %reduce_max3A = arith.constant dense<0xFF800000> : vector<512xf32>
    %reduce_max3A_93 = vector.multi_reduction <maximumf>, %select_n3A_92, %reduce_max3A [1] : vector<512x1024xf32> to vector<512xf32>
    %broadcast_in_dim3A_94 = vector.shape_cast %reduce_max3A_93 : vector<512xf32> to vector<512x1xf32>
    %max3A = arith.maximumf %broadcast_in_dim3A_94, %sub3A_82 : vector<512x1xf32>
    %sub3A_95 = vector.broadcast %max3A : vector<512x1xf32> to vector<512x1024xf32>
    %sub3A_96 = arith.subf %select_n3A_92, %sub3A_95 : vector<512x1024xf32>
    %exp3A_97 = math.exp %sub3A_96 : vector<512x1024xf32>
    %reduce_sum3A_98 = arith.constant dense<0.000000e+00> : vector<512xf32>
    %reduce_sum3A_99 = vector.multi_reduction <add>, %exp3A_97, %reduce_sum3A_98 [1] : vector<512x1024xf32> to vector<512xf32>
    %broadcast_in_dim3A_100 = vector.shape_cast %reduce_sum3A_99 : vector<512xf32> to vector<512x1xf32>
    %sub3A_101 = arith.subf %sub3A_82, %max3A : vector<512x1xf32>
    %exp3A_102 = math.exp %sub3A_101 : vector<512x1xf32>
    %add3A_103 = arith.addf %broadcast_in_dim3A_100, %exp3A_102 : vector<512x1xf32>
    %log3A_104 = math.log %add3A_103 : vector<512x1xf32>
    %add3A_105 = arith.addf %log3A_104, %max3A : vector<512x1xf32>
    %sub3A_106 = arith.subf %add3A_105, %sub3A_82 : vector<512x1xf32>
    %swap3A = arith.constant 0 : index
    %swap3A_107 = arith.constant 0 : index
    %swap3A_108 = vector.load %arg9[%swap3A, %swap3A_107] : memref<512x1xf32, #tpu.memory_space<vmem>>, vector<512x1xf32>
    tpu.vector_store %arg9[%swap3A, %swap3A_107], %sub3A_106 {strides = array<i32>} : memref<512x1xf32, #tpu.memory_space<vmem>>, vector<512x1xf32>,
    return
  }
  func.func @transform_0(%arg0: i32) -> (i32, i32) {
    %c0_i32 = arith.constant 0 : i32
    %c0_i32_0 = arith.constant 0 : i32
    return %arg0, %c0_i32 : i32, i32
  }
  func.func @transform_1(%arg0: i32) -> (i32, i32) {
    %c0_i32 = arith.constant 0 : i32
    %c0_i32_0 = arith.constant 0 : i32
    return %arg0, %c0_i32 : i32, i32
  }
  func.func @transform_2(%arg0: i32) -> (i32, i32) {
    %c0_i32 = arith.constant 0 : i32
    %c0_i32_0 = arith.constant 0 : i32
    return %arg0, %c0_i32 : i32, i32
  }
  func.func @transform_3(%arg0: i32) -> (i32, i32) {
    %c0_i32 = arith.constant 0 : i32
    %c0_i32_0 = arith.constant 0 : i32
    return %arg0, %c0_i32 : i32, i32
  }
  func.func @transform_4(%arg0: i32) -> (i32, i32) {
    %c0_i32 = arith.constant 0 : i32
    %c0_i32_0 = arith.constant 0 : i32
    %c0_i32_1 = arith.constant 0 : i32
    return %c0_i32, %c0_i32_0 : i32, i32
  }
  func.func @transform_5(%arg0: i32) -> (i32, i32) {
    %c0_i32 = arith.constant 0 : i32
    %c0_i32_0 = arith.constant 0 : i32
    %c0_i32_1 = arith.constant 0 : i32
    return %c0_i32, %c0_i32_0 : i32, i32
  }
  func.func @transform_6(%arg0: i32) -> (i32, i32) {
    %c0_i32 = arith.constant 0 : i32
    %c0_i32_0 = arith.constant 0 : i32
    %c0_i32_1 = arith.constant 0 : i32
    return %c0_i32, %c0_i32_0 : i32, i32
  }
  func.func @transform_7(%arg0: i32) -> (i32, i32) {
    %c0_i32 = arith.constant 0 : i32
    %c0_i32_0 = arith.constant 0 : i32
    %c0_i32_1 = arith.constant 0 : i32
    return %c0_i32, %c0_i32_0 : i32, i32
  }
  func.func @transform_8(%arg0: i32) -> (i32, i32) {
    %c0_i32 = arith.constant 0 : i32
    %c0_i32_0 = arith.constant 0 : i32
    return %arg0, %c0_i32 : i32, i32
  }
}

</mosaic_0001>

<sc_bundles>
// kernel: kernel.4.cloned.1.call-start
scs
__scs_entry_jumppad:
0x0: {  	(pc) =	sbr.rel $0x88, $3  }
0x1: {  	(tag) =	ssettag $0x0;
	lr =	simm.s32 $0x1  }
0x2: {  	[smem:$0x3F9D] =	sst lr;
	_ =	strace $0xD0000000  }
0x3: {  	_ = 	snop  }
0x4: {  	_ = 	snop  }
0x5: {  	_ = 	snop  }
0x6: {  	_ = 	snop  }
0x7: {  	_ = 	snop  }
__scs_overlays_trampoline_lowered:
0x8: {  	[smem:$0x3FAC] =	sst s0  }
0x9: {  	[smem:$0x3FAD] =	sst s1  }
0xa: {  	[smem:$0x3FAE] =	sst s2  }
0xb: {  	[smem:$0x3FAF] =	sst s3  }
0xc: {  	[smem:$0x3FB0] =	sst s4  }
0xd: {  	[smem:$0x3FB1] =	sst s5  }
0xe: {  	[smem:$0x3FB2] =	sst s6  }
0xf: {  	[smem:$0x3FB3] =	sst s7  }
0x10: {  	[smem:$0x3FB4] =	sst s8  }
0x11: {  	[smem:$0x3FB5] =	sst s9;
	s0 =	simm.s32 @!p0 $0x0  }
0x12: {  	s1 =	sld [smem:$0x3F9B];
	s0 =	simm.s32 @p0 $0x1  }
0x13: {  	[smem:$0x3FB6] =	sst s0;
	s0 =	simm.s32 @!p1 $0x0  }
0x14: {  	s2 =	sld [smem:$0x3F9A];
	s0 =	simm.s32 @p1 $0x1  }
0x15: {  	[smem:$0x3FB7] =	sst s0;
	s0 =	simm.s32 @!p2 $0x0  }
0x16: {  	s3 =	sld [smem:$0x3FDB];
	s0 =	simm.s32 @p2 $0x1  }
0x17: {  	s4 =	simm.s32 $0x1BF5;
	[smem:$0x3FB9] =	sst s0  }
0x18: {  	s0 =	sld [smem:$0x3F9C];
	_ =	swait.ge [sflag:s4], $0x0  }
0x19: {  	s7 =	sld [smem:$0x3F9D]  }
0x1a: {  	s8 =	sadd.s32 $0xFFFFE003, lr  }
0x1b: {  	s9 =	sadd.s32 $0xFFFFFEF7, lr;
	s5 =	simm.s32 $0xFFFFFFFF;
	p2 =	slt.u32 s8, $0xFFFFF086  }
0x1c: {  	p1 =	slt.u32 s9, $0xF7A;
	s5 =	simm.s32 @!p2 $0x0  }
0x1d: {  	s5 =	simm.s32 @p1 $0x1;
	p0 =	seq.s32 s7, s2  }
0x1e: {  	s7 =	smul.u32 @!p0 $0xF7A, s2;
	p2 =	seq.s32 @!p0 s5, $0x0  }
0x1f: {  	s9 =	smul.u32 $0xF7A, s1;
	s8 =	simm.s32 @!p0 $0x1BF5;
	p2 =	por !p2, p0  }
0x20: {  	[sflag:s8] =	ssyncset.s32 @!p0 $0xFFFFF086;
	s6 =	sadd.s32 @!p0 s3, s7;
	s7 =	simm.s32 @!p0 $0x108  }
0x21: {  	s3 =	sadd.s32 s3, s9;
	s6 =	sadd.s32 @!p0 $0x88, s6;
	s7 =	simm.s32 @p2 $0x1082  }
0x22: {  	[simem:s7], [sflag:s8] =	dma.local @!p0 [hbm:s6], $0xF7A  }
0x23: {  	s9 =	sor.u32 $0xD0000000, s2;
	s6 =	simm.s32 $0x108;
	_ =	swait.ge @!p0 [sflag:s8], $0x0  }
0x24: {  	s3 =	sadd.s32 $0x88, s3;
	s6 =	simm.s32 @!p1 $0x1082;
	[sflag:s4] =	ssyncset.s32 $0xFFFFF086  }
0x25: {  	[simem:s6], [sflag:s4] =	dma.local [hbm:s3], $0xF7A  }
0x26: {  	[smem:$0x3F9D] =	sst s1;
	(tag) =	ssettag s2;
	_ =	strace s9  }
0x27: {  	s1 =	sld [smem:$0x3FAD]  }
0x28: {  	s2 =	sld [smem:$0x3FAE]  }
0x29: {  	s4 =	sld [smem:$0x3FB0]  }
0x2a: {  	p0 =	seq.s32 s5, $0x0;
	s5 =	sld [smem:$0x3FB1]  }
0x2b: {  	s6 =	sld [smem:$0x3FB2]  }
0x2c: {  	s7 =	sld [smem:$0x3FB3]  }
0x2d: {  	s3 =	simm.s32 $0x108;
	s8 =	sld [smem:$0x3FB4]  }
0x2e: {  	s3 =	simm.s32 @!p0 $0x1082;
	s9 =	sld [smem:$0x3FB5]  }
0x2f: {  	lr =	sadd.s32 s0, s3;
	s0 =	sld [smem:$0x3FAC]  }
0x30: {  	s3 =	sld [smem:$0x3FAF]  }
0x31: {  	[smem:$0x3FB8] =	sst s10  }
0x32: {  	s10 =	sld [smem:$0x3FB6];
	_ =	sdelay $0x3  }
0x33: {  	p0 =	seq.s32 s10, $0x1;
	s10 =	sld [smem:$0x3FB8];
	_ =	sdelay $0x3  }
0x34: {  	[smem:$0x3FB8] =	sst s10  }
0x35: {  	s10 =	sld [smem:$0x3FB7];
	_ =	sdelay $0x3  }
0x36: {  	p1 =	seq.s32 s10, $0x1;
	s10 =	sld [smem:$0x3FB8];
	_ =	sdelay $0x3  }
0x37: {  	[smem:$0x3FB8] =	sst s10  }
0x38: {  	s10 =	sld [smem:$0x3FB9]  }
0x39: {  	_ = 	snop;
	(pc) =	sbr.ind lr, $3  }
0x3a: {  	_ = 	snop  }
0x3b: {  	_ = 	snop  }
0x3c: {  	p2 =	seq.s32 s10, $0x1;
	s10 =	sld [smem:$0x3FB8]  }
0x3d: {  	_ =	shalt  }
0x3e: {  	_ =	shalt  }
0x3f: {  	_ =	shalt  }
0x40: {  	_ =	shalt  }
0x41: {  	_ =	shalt  }
0x42: {  	_ =	shalt  }
0x43: {  	_ =	shalt  }
0x44: {  	_ =	shalt  }
0x45: {  	_ =	shalt  }
0x46: {  	_ =	shalt  }
0x47: {  	_ =	shalt  }
0x48: {  	_ =	shalt  }
0x49: {  	_ =	shalt  }
0x4a: {  	_ =	shalt  }
0x4b: {  	_ =	shalt  }
0x4c: {  	_ =	shalt  }
0x4d: {  	_ =	shalt  }
0x4e: {  	_ =	shalt  }
0x4f: {  	_ =	shalt  }
0x50: {  	_ =	shalt  }
0x51: {  	_ =	shalt  }
0x52: {  	_ =	shalt  }
0x53: {  	_ =	shalt  }
0x54: {  	_ =	shalt  }
0x55: {  	_ =	shalt  }
0x56: {  	_ =	shalt  }
0x57: {  	_ =	shalt  }
0x58: {  	_ =	shalt  }
0x59: {  	_ =	shalt  }
0x5a: {  	_ =	shalt  }
0x5b: {  	_ =	shalt  }
0x5c: {  	_ =	shalt  }
0x5d: {  	_ =	shalt  }
0x5e: {  	_ =	shalt  }
0x5f: {  	_ =	shalt  }
0x60: {  	_ =	shalt  }
0x61: {  	_ =	shalt  }
0x62: {  	_ =	shalt  }
0x63: {  	_ =	shalt  }
0x64: {  	_ =	shalt  }
0x65: {  	_ =	shalt  }
0x66: {  	_ =	shalt  }
0x67: {  	_ =	shalt  }
0x68: {  	_ =	shalt  }
0x69: {  	_ =	shalt  }
0x6a: {  	_ =	shalt  }
0x6b: {  	_ =	shalt  }
0x6c: {  	_ =	shalt  }
0x6d: {  	_ =	shalt  }
0x6e: {  	_ =	shalt  }
0x6f: {  	_ =	shalt  }
0x70: {  	_ =	shalt  }
0x71: {  	_ =	shalt  }
0x72: {  	_ =	shalt  }
0x73: {  	_ =	shalt  }
0x74: {  	_ =	shalt  }
0x75: {  	_ =	shalt  }
0x76: {  	_ =	shalt  }
0x77: {  	_ =	shalt  }
0x78: {  	_ =	shalt  }
0x79: {  	_ =	shalt  }
0x7a: {  	_ =	shalt  }
0x7b: {  	_ =	shalt  }
0x7c: {  	_ =	shalt  }
0x7d: {  	_ =	shalt  }
0x7e: {  	_ =	shalt  }
0x7f: {  	_ =	shalt  }
0x80: {  	_ =	shalt  }
0x81: {  	_ =	shalt  }
0x82: {  	_ =	shalt  }
0x83: {  	_ =	shalt  }
0x84: {  	_ =	shalt  }
0x85: {  	_ =	shalt  }
0x86: {  	_ =	shalt  }
0x87: {  	_ =	shalt  }
.Lfunc_end0:
.L_simem_size_0:
called_computation_lowered:
.L_overlay_start_0:
0x88: {  	s2 =	sld [smem:$0x3FD9]  }
0x89: {  	s3 =	sld [smem:$0x3FFE];
	_ =	sdelay $0x1  }
0x8a: {  	s1 =	srdreg.scid  }
0x8b: {  	s0 =	sand.u32 $0x1, s1  }
0x8c: {  	s17 =	sshll.u32 s0, $0xA;
	s2 =	sadd.s32 s3, s2  }
0x8d: {  	s2 =	sadd.s32 s2, s17  }
0x8e: {  	[smem:$0x3FC4] =	sst s2  }
0x8f: {  	_ = 	snop  }
0x90: {  	s2 =	sld [smem:$0x3FC7]  }
0x91: {  	s18 =	sld [smem:$0x3FC6]  }
0x92: {  	s4 =	sld [smem:$0x3FD0];
	(tm) =	ssettm $0x1  }
0x93: {  	s5 =	sld [smem:$0x3FFB];
	_ =	sdelay $0x3  }
0x94: {  	_ =	strace s5  }
0x95: {  	s5 =	sld [smem:$0x3FFC];
	_ =	sdelay $0x3  }
0x96: {  	_ =	strace s5  }
0x97: {  	s5 =	sld [smem:$0x3FFD];
	_ =	sdelay $0x3  }
0x98: {  	_ =	strace s5  }
0x99: {  	_ =	strace $0x8FFFFFFF  }
0x9a: {  	s19 =	sld [smem:$0x3FDB];
	_ =	sdelay $0x1  }
0x9b: {  	s6 =	simm.s32 $_scs_section_size  }
0x9c: {  	s7 =	simm.s32 $_size__tile_overlayer_lowered;
	s8 =	simm.s32 $_tile_overlayer_lowered  }
0x9d: {  	s22 =	simm.s32 $0x1BFF;
	s21 =	sshll.u32 s8, $0x1;
	s5 =	sadd.s32 s6, s19  }
0x9e: {  	s9 =	simm.s32 $0x0;
	s20 =	sshll.u32 s7, $0x1;
	s7 =	sadd.s32 s21, s5  }
0x9f: {  	[timem:s9], [sflag:s22] =	dma.local [hbm:s7], s20  }
0xa0: {  	_ =	swait.ge [sflag:s22], s20  }
0xa1: {  	s6 =	ssub.s32 $0x0, s20;
	[sflag:s22] =	ssyncset.done $0x0  }
0xa2: {  	[sflag:s22] =	ssyncadd.s32 s6;
	_ =	sdelay $0x1  }
0xa3: {  	s23 =	simm.s32 $0x1B8B  }
0xa4: {  	_ =	swait.ge [sflag:s23], $0x1  }
0xa5: {  	[sflag:s23] =	ssyncset.done $0x0  }
0xa6: {  	s25 =	simm.s32 $0x1B8E;
	s24 =	sld [smem:$0x3FFE];
	[sflag:s23] =	ssyncadd.s32 $0xFFFFFFFF  }
0xa7: {  	s26 =	simm.s32 $execute0_lowered;
	[smem:$0x3FD2] =	sst s25  }
0xa8: {  	s7 =	sshll.u32 s26, $0x1;
	_ =	strace $0x80000046;
	[dreg:$0x1] =	wrdreg $0xFFFFFFFF  }
0xa9: {  	s28 =	simm.s32 $_size_execute0_lowered;
	s5 =	sadd.s32 s5, s7;
	[dreg:$0x0] =	wrdreg $0x0  }
0xaa: {  	s7 =	sshll.u32 s28, $0x1;
	[dreg:$0x2] =	wrdreg s5  }
0xab: {  	[dreg:$0x3] =	wrdreg s7  }
0xac: {  	[dreg:$0x4] =	wrdreg $0xC0  }
0xad: {  	_ =	task [dreg:s9], $0x5FFFF  }
0xae: {  	[dreg:$0x1] =	wrdreg $0xFFFFFFFF  }
0xaf: {  	[dreg:$0x0] =	wrdreg $0x60  }
0xb0: {  	[dreg:$0x2] =	wrdreg s2  }
0xb1: {  	[dreg:$0x3] =	wrdreg s18  }
0xb2: {  	[dreg:$0x4] =	wrdreg s24  }
0xb3: {  	[dreg:$0x5] =	wrdreg s4  }
0xb4: {  	[dreg:$0x6] =	wrdreg $0x9  }
0xb5: {  	_ =	task.clear_ibuf [dreg:s9], $0x7FFFF;
	_ =	strace $0x90000046  }
0xb6: {  	s29 =	simm.s32 $0x9;
	_ =	strace $0x80000048  }
0xb7: {  	_ =	swait.ge [sflag:s29], $0x1  }
0xb8: {  	[sflag:s29] =	ssyncadd.s32 $0xFFFFFFFF  }
0xb9: {  	_ =	strace $0x90000048  }
0xba: {  	_ =	sfence  }
0xbb: {  	s30 =	sld [smem:$0x0];
	_ =	sdelay $0x2  }
0xbc: {  	s31 =	sshll.u32 s1, $0xD;
	s1 =	sshrl.u32 s1, $0x2  }
0xbd: {  	s3 =	sand.u32 $0x4000, s31;
	s1 =	sadd.s32 s1, s30  }
0xbe: {  	s0 =	sor.u32 s3, s0;
	s1 =	sshll.u32 s1, $0x11  }
0xbf: {  	s0 =	sor.u32 s1, s0  }
0xc0: {  	s0 =	sadd.s32 $0x8F2B, s0  }
0xc1: {  	[sflag:s0] =	ssyncadd.remote.s32 $0x1  }
0xc2: {  	_ =	sfence.sel $0xFFFF  }
0xc3: {  	[dreg:$0x0] =	wrdreg $0xFFFFFFFF;
	(pc) =	sbr.abs _section_cstart, $3  }
0xc4: {  	[dreg:$0x1] =	wrdreg $0xFFFFFFFF  }
0xc5: {  	_ =	task.clear_ibuf [dreg:s9], $0x2FFFF;
	_ =	strace $0x9FFFFFFF  }
0xc6: {  	(tm) =	ssettm $0x7FFFFFFF  }
0xc7: {  	_ =	shalt  }
tec
execute0_lowered:
.L_overlay_start_1:
0x0: {  	(tag) =	ssettag $0x1  }
0x1: {  	s2 =	srdreg.scid;
	s0 =	stileid.u32  }
0x2: {  	s1 =	rddreg [dreg:$0x0];
	s18 =	sand.u32 $0x1, s2;
	s31 =	sshll.u32 s0, $0x1  }
0x3: {  	s3 =	rddreg [dreg:$0x1];
	s16 =	sor.u32 s18, s31  }
0x4: {  	s15 =	rddreg [dreg:$0x2];
	s5 =	smul.u32 $0x14, s16  }
0x5: {  	s11 =	rddreg [dreg:$0x3];
	s4 =	simm.s32 $0x0  }
0x6: {  	s6 =	simm.s32 $0x4;
	[smem:$0x7FF] =	sst s4;
	s5 =	sadd.s32 s5, s15  }
0x7: {  	s2 =	rddreg [dreg:$0x4];
	_ =	strace $0x80000047;
	s5 =	sadd.s32 $0x1000, s5  }
0x8: {  	[tilespmem:s4], [sflag:$0x4] =	stream.linear.gather [hbm4b:s5+s4], $0xA0, $0x38;
	[tilespmem:$0x5200] =	vst v63  }
0x9: {  	_ =	swait.ge [sflag:s6], $0xA0  }
0xa: {  	[sflag:s6] =	ssyncset.done $0x0  }
0xb: {  	s7 =	simm.s32 $0xA0;
	s8 =	simm.s32 $0x100;
	[sflag:s6] =	ssyncadd.s32 $0xFFFFFF60  }
0xc: {  	[tilespmem:s8], [sflag:$0x1] =	stream.indirect.gather [hbm4b:s1+s7], $0x80, s4, s7, $0xb8;
	[tilespmem:$0x5200] =	vst v63  }
0xd: {  	s9 =	simm.s32 $0x5100;
	s10 =	simm.s32 $0x2  }
0xe: {  	[tilespmem:s9], [sflag:$0x2] =	stream.indirect.gather [hbm4b:s3+s7], $0x1, s4, s7, $0xb8;
	[tilespmem:$0x5200] =	vst v63  }
0xf: {  	_ =	swait.ge [sflag:s10], $0xA0  }
0x10: {  	s12 =	sshll.u32 s16, $0x2;
	s13 =	sshll.u32 s16, $0x4;
	[sflag:s10] =	ssyncset.done $0x0  }
0x11: {  	s12 =	sadd.s32 s12, s15;
	s11 =	sadd.s32 s11, s13;
	[sflag:s10] =	ssyncadd.s32 $0xFFFFFF60  }
0x12: {  	[hbm4b:s11+s4] =	stream.linear.scatter [tilespmem:s9], [sflag:$0x3], $0x80, $0x38;
	[tilespmem:$0x5200] =	vst v63  }
0x13: {  	s14 =	simm.s32 $0x1;
	s13 =	simm.s32 $0x5180;
	s12 =	sadd.s32 $0x11400, s12  }
0x14: {  	[hbm4b:s12+s4] =	stream.linear.scatter [tilespmem:s13], [sflag:$0x3], $0x20, $0x38;
	[tilespmem:$0x5200] =	vst v63  }
0x15: {  	s17 =	sshll.u32 s16, $0xB;
	_ =	swait.ge [sflag:s14], $0x5000  }
0x16: {  	s16 =	sshll.u32 s16, $0x9;
	s17 =	sadd.s32 s17, s15;
	[sflag:s14] =	ssyncset.done $0x0  }
0x17: {  	s16 =	sadd.s32 s16, s15;
	s15 =	sadd.s32 $0x1400, s17;
	[sflag:s14] =	ssyncadd.s32 $0xFFFFB000  }
0x18: {  	[hbm4b:s15+s4] =	stream.linear.scatter [tilespmem:s8], [sflag:$0x1], $0x4000, $0x38;
	[tilespmem:$0x5200] =	vst v63  }
0x19: {  	s16 =	sadd.s32 $0x11600, s16;
	s17 =	simm.s32 $0x4100  }
0x1a: {  	[hbm4b:s16+s4] =	stream.linear.scatter [tilespmem:s17], [sflag:$0x1], $0x1000, $0x38;
	[tilespmem:$0x5200] =	vst v63  }
0x1b: {  	_ =	swait.ge [sflag:s14], $0x4000  }
0x1c: {  	s19 =	ssub.s32 $0x2, s18;
	[sflag:s14] =	ssyncset.done $0x0  }
0x1d: {  	s20 =	sshrl.u32 s19, $0x1;
	[sflag:s14] =	ssyncadd.s32 $0xFFFFC000  }
0x1e: {  	s19 =	ssub.s32 s19, s20;
	_ =	swait.ge [sflag:s14], $0x1000  }
0x1f: {  	s19 =	smax.u32 s19, $0x1;
	[sflag:s14] =	ssyncset.done $0x0  }
0x20: {  	s18 =	simm.s32 $0x3;
	p0 =	sne.s32 s19, $0x1;
	[sflag:s14] =	ssyncadd.s32 $0xFFFFF000  }
.Ltmp0:
0x21: {  	_ =	swait.ge [sflag:s18], $0x80;
	(pc) =	sbr.rel @!p0 .LBB2_2-.Ltmp0, $4  }
0x22: {  	[sflag:s18] =	ssyncset.done $0x0  }
0x23: {  	[sflag:s18] =	ssyncadd.s32 $0xFFFFFF80  }
0x24: {  	_ =	swait.ge [sflag:s18], $0x20  }
0x25: {  	s19 =	sadd.s32 $0xFFFFFFFF, s19;
	[sflag:s18] =	ssyncset.done $0x0  }
.LBB2_1:
0x26: {  	p0 =	sne.s32 s19, $0x1;
	s19 =	sadd.s32 $0xFFFFFFFF, s19;
	[sflag:s18] =	ssyncadd.s32 $0xFFFFFFE0  }
0x27: {  	[tilespmem:s4], [sflag:$0x4] =	stream.linear.gather [hbm4b:s5+s4], $0xA0, $0x38;
	[tilespmem:$0x5200] =	vst v63  }
0x28: {  	_ =	swait.ge [sflag:s6], $0xA0  }
0x29: {  	[sflag:s6] =	ssyncset.done $0x0  }
0x2a: {  	[sflag:s6] =	ssyncadd.s32 $0xFFFFFF60  }
0x2b: {  	[tilespmem:s8], [sflag:$0x1] =	stream.indirect.gather [hbm4b:s1+s7], $0x80, s4, s7, $0xb8;
	[tilespmem:$0x5200] =	vst v63  }
0x2c: {  	_ = 	snop  }
0x2d: {  	[tilespmem:s9], [sflag:$0x2] =	stream.indirect.gather [hbm4b:s3+s7], $0x1, s4, s7, $0xb8;
	[tilespmem:$0x5200] =	vst v63  }
0x2e: {  	_ =	swait.ge [sflag:s10], $0xA0  }
0x2f: {  	[sflag:s10] =	ssyncset.done $0x0  }
0x30: {  	[sflag:s10] =	ssyncadd.s32 $0xFFFFFF60  }
0x31: {  	[hbm4b:s11+s4] =	stream.linear.scatter [tilespmem:s9], [sflag:$0x3], $0x80, $0x38;
	[tilespmem:$0x5200] =	vst v63  }
0x32: {  	_ = 	snop  }
0x33: {  	[hbm4b:s12+s4] =	stream.linear.scatter [tilespmem:s13], [sflag:$0x3], $0x20, $0x38;
	[tilespmem:$0x5200] =	vst v63  }
0x34: {  	_ =	swait.ge [sflag:s14], $0x5000  }
0x35: {  	[sflag:s14] =	ssyncset.done $0x0  }
0x36: {  	[sflag:s14] =	ssyncadd.s32 $0xFFFFB000  }
0x37: {  	[hbm4b:s15+s4] =	stream.linear.scatter [tilespmem:s8], [sflag:$0x1], $0x4000, $0x38;
	[tilespmem:$0x5200] =	vst v63  }
0x38: {  	_ = 	snop  }
0x39: {  	[hbm4b:s16+s4] =	stream.linear.scatter [tilespmem:s17], [sflag:$0x1], $0x1000, $0x38;
	[tilespmem:$0x5200] =	vst v63  }
0x3a: {  	_ =	swait.ge [sflag:s14], $0x4000  }
0x3b: {  	[sflag:s14] =	ssyncset.done $0x0  }
0x3c: {  	[sflag:s14] =	ssyncadd.s32 $0xFFFFC000  }
0x3d: {  	_ =	swait.ge [sflag:s14], $0x1000  }
0x3e: {  	[sflag:s14] =	ssyncset.done $0x0  }
0x3f: {  	[sflag:s14] =	ssyncadd.s32 $0xFFFFF000  }
.Ltmp1:
0x40: {  	_ =	swait.ge [sflag:s18], $0x80;
	(pc) =	sbr.rel @p0 .LBB2_1-.Ltmp1, $4  }
0x41: {  	[sflag:s18] =	ssyncset.done $0x0  }
0x42: {  	[sflag:s18] =	ssyncadd.s32 $0xFFFFFF80  }
0x43: {  	_ =	swait.ge [sflag:s18], $0x20  }
0x44: {  	[sflag:s18] =	ssyncset.done $0x0  }
.LBB2_2:
0x45: {  	[sflag:s18] =	ssyncadd.s32 $0xFFFFFFE0  }
0x46: {  	_ =	sfence.sel $0x180000  }
0x47: {  	[bflag:$0x0] =	sbarrier.arrive $0xFFFF  }
0x48: {  	p0 =	sne.s32 s0, $0x0;
	_ =	strace $0x90000047  }
0x49: {  	s0 =	sadd.s32 @!p0 $0x100000, s2;
	[bflag:$0x2] =	sbarrier.arrive $0xFFFF  }
0x4a: {  	[sflag:s0] =	ssyncadd.tile.s32 @!p0 $0x1;
	_ =	shalt  }
.Lfunc_end2:
_tile_overlayer_lowered:
.L_overlay_start_2:
0x4b: {  	(tag) =	ssettag $0x2  }
0x4c: {  	s0 =	rddreg [dreg:$0x0];
	s2 =	stileid.u32  }
0x4d: {  	s1 =	rddreg [dreg:$0x1];
	p0 =	sne.s32 s2, $0x0  }
0x4e: {  	s3 =	rddreg [dreg:$0x2];
	[bflag:$0x3] =	sbarrier.arrive $0xFFFF;
	s2 =	simm.s32 @!p0 $0x1C04  }
0x4f: {  	[timem:s3], [sflag:s2] =	dma.local @!p0 [hbm:s0], s1  }
0x50: {  	s0 =	simm.s32 @!p0 $0x4  }
0x51: {  	_ =	swait.ge @!p0 [sflag:s0], s1  }
0x52: {  	s1 =	ssub.s32 @!p0 $0x0, s1;
	[sflag:s0] =	ssyncset.done @!p0 $0x0  }
0x53: {  	[sflag:s0] =	ssyncadd.s32 @!p0 s1  }
0x54: {  	[bflag:$0x3] =	sbarrier.arrive $0xFFFF  }
0x55: {  	_ =	shalt  }

</sc_bundles>
